<compile_context>
chip_gen: v7x
topology: tpu7x:2x2x1
jax: 0.10.2.dev20260603
libtpu: 0.0.44.dev20260713+nightly
codegen_flags: <defaults>
</compile_context>

<pallas_src>
import functools

import jax
import jax.numpy as jnp
from jax import lax
from jax.experimental import pallas as pl
from jax.experimental.pallas import tpu as pltpu
from jax.experimental.pallas import tpu_sc as plsc

_L = 200
_PAD = 256
_DIM = 64
_BLK = 8192
_VOCAB = 100000
_NSTEP = -(-_VOCAB // _BLK)
_VP = _NSTEP * _BLK



def _wbuild_body(idx_hbm, wts_hbm, zeros_hbm, w2_hbm, acc_v, idx_v, wts_v):
    cid = lax.axis_index("c")
    sid = lax.axis_index("s")

    @pl.when(sid == 0)
    def _():
        pltpu.sync_copy(zeros_hbm, acc_v)
        pltpu.sync_copy(idx_hbm, idx_v)
        pltpu.sync_copy(wts_hbm, wts_v)
        base = cid * _PAD
        for k in range(_PAD // 16):
            iv = idx_v[pl.ds(base + k * 16, 16)]
            wv = wts_v[pl.ds(base + k * 16, 16)]
            plsc.addupdate_scatter(acc_v, [iv], wv)
        pltpu.sync_copy(acc_v, w2_hbm.at[cid])


_wbuild = pl.kernel(
    _wbuild_body,
    out_type=jax.ShapeDtypeStruct((2, _VP), jnp.float32),
    scratch_types=[
        pltpu.VMEM((_VP,), jnp.float32),
        pltpu.VMEM((2 * _PAD,), jnp.int32),
        pltpu.VMEM((2 * _PAD,), jnp.float32),
    ],
    mesh=plsc.VectorSubcoreMesh(core_axis_name="c", subcore_axis_name="s"),
    compiler_params=pltpu.CompilerParams(needs_layout_passes=False),
)



_TAIL = _VOCAB - (_NSTEP - 1) * _BLK


def _wsum_body(x_ref, w_ref, o_ref, acc):
    pid = pl.program_id(0)

    @pl.when(pid == 0)
    def _():
        acc[...] = jnp.zeros_like(acc)

    @pl.when(pid == _NSTEP - 1)
    def _():
        x_ref[:, pl.ds(_TAIL, _BLK - _TAIL)] = jnp.zeros(
            (_DIM, _BLK - _TAIL), jnp.float32)

    acc[...] += jax.lax.dot_general(
        w_ref[...], x_ref[...], (((1,), (1,)), ((), ())),
        preferred_element_type=jnp.float32)

    @pl.when(pid == _NSTEP - 1)
    def _():
        o_ref[0, pl.ds(0, _DIM)] = acc[0, :]
        o_ref[0, pl.ds(_DIM, _DIM)] = acc[1, :]


def _wsum(table_t, w2):
    return pl.pallas_call(
        _wsum_body,
        grid=(_NSTEP,),
        in_specs=[
            pl.BlockSpec((_DIM, _BLK), lambda i: (0, i)),
            pl.BlockSpec((2, _BLK), lambda i: (0, i)),
        ],
        out_specs=pl.BlockSpec((1, 2 * _DIM), lambda i: (0, 0)),
        out_shape=jax.ShapeDtypeStruct((1, 2 * _DIM), jnp.float32),
        scratch_shapes=[
            pltpu.VMEM((2, _DIM), jnp.float32),
        ],
    )(table_t, w2)


def kernel(s1, s2, table):
    pad = jnp.zeros((_PAD - _L,), jnp.int32)
    idx = jnp.concatenate([s1.astype(jnp.int32), pad,
                           s2.astype(jnp.int32), pad])
    pos = jnp.arange(_PAD, dtype=jnp.int32)
    wts1 = jnp.where(pos < _L, jnp.float32(1.0 / _L), jnp.float32(0.0))
    wts = jnp.concatenate([wts1, wts1])
    zeros = jnp.zeros((_VP,), jnp.float32)
    w2 = _wbuild(idx, wts, zeros)
    table_t = jnp.transpose(table)
    return _wsum(table_t, w2).reshape(2 * _DIM)

# --- scband reference (transcript-rebuilt; emitter-appended) ---
"""Pipeline reference for scband-emb-aggregation-8469675508254 (READ-ONLY COPY).

The authoritative reference and input builder live on the scoring server;
editing this copy changes nothing except your own understanding.
"""

import jax, jax.numpy as jnp
import numpy as np

VOCAB = 100000
DIM = 64
L1 = 200
L2 = 200

def setup_inputs(seed: int = 0) -> dict:
    key = jax.random.key(seed)
    k1, k2, k3 = jax.random.split(key, 3)
    # pretrained embedding table (constructor arg, materialized as a parameter)
    table = jax.random.normal(k1, (VOCAB, DIM), dtype=jnp.float32)
    s1 = jax.random.randint(k2, (L1,), 0, VOCAB, dtype=jnp.int32)
    s2 = jax.random.randint(k3, (L2,), 0, VOCAB, dtype=jnp.int32)
    return {"s1": s1, "s2": s2, "table": table}

def reference(s1, s2, table):
    # embedding lookup (gather) for each sentence
    s1_emb = jnp.take(table, s1, axis=0)  # [L1, DIM]
    s2_emb = jnp.take(table, s2, axis=0)  # [L2, DIM]
    # concat_aggregation: mean over tokens, then concat
    m1 = jnp.mean(s1_emb, axis=0).astype(jnp.float32)  # [DIM]
    m2 = jnp.mean(s2_emb, axis=0).astype(jnp.float32)  # [DIM]
    return jnp.concatenate([m1, m2], axis=0)  # [2*DIM]

if __name__ == "__main__":
    import jax
    _d = setup_inputs()
    print(jax.jit(kernel)(*tuple(_d.values())))

</pallas_src>

<mosaic_0001>
#map = affine_map<(d0, d1) -> (0)>
#map1 = affine_map<(d0, d1) -> (0, 0)>
module attributes {stable_mosaic.version = 14 : i64} {
  func.func @_wbuild_body(%arg0: i32, %arg1: i32, %arg2: memref<512xi32, #tpu.memory_space<hbm>>, %arg3: memref<512xf32, #tpu.memory_space<hbm>>, %arg4: memref<106496xf32, #tpu.memory_space<hbm>>, %arg5: memref<2x106496xf32, #tpu.memory_space<hbm>>, %arg6: memref<106496xf32, #tpu.memory_space<vmem>>, %arg7: memref<512xi32, #tpu.memory_space<vmem>>, %arg8: memref<512xf32, #tpu.memory_space<vmem>>) attributes {dimension_semantics = [#tpu.dimension_semantics<core_parallel>, #tpu.dimension_semantics<subcore_parallel>], iteration_bounds = array<i64: 2, 16>, scalar_prefetch = 0 : i64, scratch_operands = 3 : i64, tpu.core_type = #tpu.core_type<sc_vector_subcore>, window_params = [{transform_indices = #map}, {transform_indices = #map}, {transform_indices = #map}, {transform_indices = #map1}]} {
    %eq3A = arith.constant 0 : i32
    %eq3A_0 = arith.cmpi eq, %arg1, %eq3A : i32
    %convert_element_type3A = arith.extui %eq3A_0 : i1 to i32
    %cond3A = arith.constant 0 : i32
    %cond3A_1 = arith.cmpi ne, %convert_element_type3A, %cond3A : i32
    scf.if %cond3A_1 {
      "tpu.region"() ({
        %run_scoped3A = tpu.sem_alloc : memref<!tpu.dma_semaphore, #tpu.memory_space<semaphore_mem>>
        tpu.enqueue_dma source(%arg4 : memref<106496xf32, #tpu.memory_space<hbm>>) target(%arg6 : memref<106496xf32, #tpu.memory_space<vmem>>) target_semaphore(%run_scoped3A : memref<!tpu.dma_semaphore, #tpu.memory_space<semaphore_mem>>)
        tpu.wait_dma2 semaphore(%run_scoped3A : memref<!tpu.dma_semaphore, #tpu.memory_space<semaphore_mem>>) src(%arg4 : memref<106496xf32, #tpu.memory_space<hbm>>) dst(%arg6 : memref<106496xf32, #tpu.memory_space<vmem>>)
        tpu.yield
      }) : () -> ()
      "tpu.region"() ({
        %run_scoped3A = tpu.sem_alloc : memref<!tpu.dma_semaphore, #tpu.memory_space<semaphore_mem>>
        tpu.enqueue_dma source(%arg2 : memref<512xi32, #tpu.memory_space<hbm>>) target(%arg7 : memref<512xi32, #tpu.memory_space<vmem>>) target_semaphore(%run_scoped3A : memref<!tpu.dma_semaphore, #tpu.memory_space<semaphore_mem>>)
        tpu.wait_dma2 semaphore(%run_scoped3A : memref<!tpu.dma_semaphore, #tpu.memory_space<semaphore_mem>>) src(%arg2 : memref<512xi32, #tpu.memory_space<hbm>>) dst(%arg7 : memref<512xi32, #tpu.memory_space<vmem>>)
        tpu.yield
      }) : () -> ()
      "tpu.region"() ({
        %run_scoped3A = tpu.sem_alloc : memref<!tpu.dma_semaphore, #tpu.memory_space<semaphore_mem>>
        tpu.enqueue_dma source(%arg3 : memref<512xf32, #tpu.memory_space<hbm>>) target(%arg8 : memref<512xf32, #tpu.memory_space<vmem>>) target_semaphore(%run_scoped3A : memref<!tpu.dma_semaphore, #tpu.memory_space<semaphore_mem>>)
        tpu.wait_dma2 semaphore(%run_scoped3A : memref<!tpu.dma_semaphore, #tpu.memory_space<semaphore_mem>>) src(%arg3 : memref<512xf32, #tpu.memory_space<hbm>>) dst(%arg8 : memref<512xf32, #tpu.memory_space<vmem>>)
        tpu.yield
      }) : () -> ()
      %mul3A = arith.constant 256 : i32
      %mul3A_2 = arith.muli %arg0, %mul3A : i32
      %add3A = arith.constant 0 : i32
      %add3A_3 = arith.addi %mul3A_2, %add3A : i32
      %get3A = arith.index_cast %add3A_3 : i32 to index
      %get3A_4 = tpu.vector_load %arg7[%get3A] {strides = array<i32>} : memref<512xi32, #tpu.memory_space<vmem>>, vector<16xi32>,
      %add3A_5 = arith.constant 0 : i32
      %add3A_6 = arith.addi %mul3A_2, %add3A_5 : i32
      %get3A_7 = arith.index_cast %add3A_6 : i32 to index
      %get3A_8 = tpu.vector_load %arg8[%get3A_7] {strides = array<i32>} : memref<512xf32, #tpu.memory_space<vmem>>, vector<16xf32>,
      tpu.vector_store_idx %arg6[%get3A_4], %get3A_8 {add = true} : memref<106496xf32, #tpu.memory_space<vmem>>[vector<16xi32>], vector<16xf32>,
      %add3A_9 = arith.constant 16 : i32
      %add3A_10 = arith.addi %mul3A_2, %add3A_9 : i32
      %get3A_11 = arith.index_cast %add3A_10 : i32 to index
      %get3A_12 = tpu.vector_load %arg7[%get3A_11] {strides = array<i32>} : memref<512xi32, #tpu.memory_space<vmem>>, vector<16xi32>,
      %add3A_13 = arith.constant 16 : i32
      %add3A_14 = arith.addi %mul3A_2, %add3A_13 : i32
      %get3A_15 = arith.index_cast %add3A_14 : i32 to index
      %get3A_16 = tpu.vector_load %arg8[%get3A_15] {strides = array<i32>} : memref<512xf32, #tpu.memory_space<vmem>>, vector<16xf32>,
      tpu.vector_store_idx %arg6[%get3A_12], %get3A_16 {add = true} : memref<106496xf32, #tpu.memory_space<vmem>>[vector<16xi32>], vector<16xf32>,
      %add3A_17 = arith.constant 32 : i32
      %add3A_18 = arith.addi %mul3A_2, %add3A_17 : i32
      %get3A_19 = arith.index_cast %add3A_18 : i32 to index
      %get3A_20 = tpu.vector_load %arg7[%get3A_19] {strides = array<i32>} : memref<512xi32, #tpu.memory_space<vmem>>, vector<16xi32>,
      %add3A_21 = arith.constant 32 : i32
      %add3A_22 = arith.addi %mul3A_2, %add3A_21 : i32
      %get3A_23 = arith.index_cast %add3A_22 : i32 to index
      %get3A_24 = tpu.vector_load %arg8[%get3A_23] {strides = array<i32>} : memref<512xf32, #tpu.memory_space<vmem>>, vector<16xf32>,
      tpu.vector_store_idx %arg6[%get3A_20], %get3A_24 {add = true} : memref<106496xf32, #tpu.memory_space<vmem>>[vector<16xi32>], vector<16xf32>,
      %add3A_25 = arith.constant 48 : i32
      %add3A_26 = arith.addi %mul3A_2, %add3A_25 : i32
      %get3A_27 = arith.index_cast %add3A_26 : i32 to index
      %get3A_28 = tpu.vector_load %arg7[%get3A_27] {strides = array<i32>} : memref<512xi32, #tpu.memory_space<vmem>>, vector<16xi32>,
      %add3A_29 = arith.constant 48 : i32
      %add3A_30 = arith.addi %mul3A_2, %add3A_29 : i32
      %get3A_31 = arith.index_cast %add3A_30 : i32 to index
      %get3A_32 = tpu.vector_load %arg8[%get3A_31] {strides = array<i32>} : memref<512xf32, #tpu.memory_space<vmem>>, vector<16xf32>,
      tpu.vector_store_idx %arg6[%get3A_28], %get3A_32 {add = true} : memref<106496xf32, #tpu.memory_space<vmem>>[vector<16xi32>], vector<16xf32>,
      %add3A_33 = arith.constant 64 : i32
      %add3A_34 = arith.addi %mul3A_2, %add3A_33 : i32
      %get3A_35 = arith.index_cast %add3A_34 : i32 to index
      %get3A_36 = tpu.vector_load %arg7[%get3A_35] {strides = array<i32>} : memref<512xi32, #tpu.memory_space<vmem>>, vector<16xi32>,
      %add3A_37 = arith.constant 64 : i32
      %add3A_38 = arith.addi %mul3A_2, %add3A_37 : i32
      %get3A_39 = arith.index_cast %add3A_38 : i32 to index
      %get3A_40 = tpu.vector_load %arg8[%get3A_39] {strides = array<i32>} : memref<512xf32, #tpu.memory_space<vmem>>, vector<16xf32>,
      tpu.vector_store_idx %arg6[%get3A_36], %get3A_40 {add = true} : memref<106496xf32, #tpu.memory_space<vmem>>[vector<16xi32>], vector<16xf32>,
      %add3A_41 = arith.constant 80 : i32
      %add3A_42 = arith.addi %mul3A_2, %add3A_41 : i32
      %get3A_43 = arith.index_cast %add3A_42 : i32 to index
      %get3A_44 = tpu.vector_load %arg7[%get3A_43] {strides = array<i32>} : memref<512xi32, #tpu.memory_space<vmem>>, vector<16xi32>,
      %add3A_45 = arith.constant 80 : i32
      %add3A_46 = arith.addi %mul3A_2, %add3A_45 : i32
      %get3A_47 = arith.index_cast %add3A_46 : i32 to index
      %get3A_48 = tpu.vector_load %arg8[%get3A_47] {strides = array<i32>} : memref<512xf32, #tpu.memory_space<vmem>>, vector<16xf32>,
      tpu.vector_store_idx %arg6[%get3A_44], %get3A_48 {add = true} : memref<106496xf32, #tpu.memory_space<vmem>>[vector<16xi32>], vector<16xf32>,
      %add3A_49 = arith.constant 96 : i32
      %add3A_50 = arith.addi %mul3A_2, %add3A_49 : i32
      %get3A_51 = arith.index_cast %add3A_50 : i32 to index
      %get3A_52 = tpu.vector_load %arg7[%get3A_51] {strides = array<i32>} : memref<512xi32, #tpu.memory_space<vmem>>, vector<16xi32>,
      %add3A_53 = arith.constant 96 : i32
      %add3A_54 = arith.addi %mul3A_2, %add3A_53 : i32
      %get3A_55 = arith.index_cast %add3A_54 : i32 to index
      %get3A_56 = tpu.vector_load %arg8[%get3A_55] {strides = array<i32>} : memref<512xf32, #tpu.memory_space<vmem>>, vector<16xf32>,
      tpu.vector_store_idx %arg6[%get3A_52], %get3A_56 {add = true} : memref<106496xf32, #tpu.memory_space<vmem>>[vector<16xi32>], vector<16xf32>,
      %add3A_57 = arith.constant 112 : i32
      %add3A_58 = arith.addi %mul3A_2, %add3A_57 : i32
      %get3A_59 = arith.index_cast %add3A_58 : i32 to index
      %get3A_60 = tpu.vector_load %arg7[%get3A_59] {strides = array<i32>} : memref<512xi32, #tpu.memory_space<vmem>>, vector<16xi32>,
      %add3A_61 = arith.constant 112 : i32
      %add3A_62 = arith.addi %mul3A_2, %add3A_61 : i32
      %get3A_63 = arith.index_cast %add3A_62 : i32 to index
      %get3A_64 = tpu.vector_load %arg8[%get3A_63] {strides = array<i32>} : memref<512xf32, #tpu.memory_space<vmem>>, vector<16xf32>,
      tpu.vector_store_idx %arg6[%get3A_60], %get3A_64 {add = true} : memref<106496xf32, #tpu.memory_space<vmem>>[vector<16xi32>], vector<16xf32>,
      %add3A_65 = arith.constant 128 : i32
      %add3A_66 = arith.addi %mul3A_2, %add3A_65 : i32
      %get3A_67 = arith.index_cast %add3A_66 : i32 to index
      %get3A_68 = tpu.vector_load %arg7[%get3A_67] {strides = array<i32>} : memref<512xi32, #tpu.memory_space<vmem>>, vector<16xi32>,
      %add3A_69 = arith.constant 128 : i32
      %add3A_70 = arith.addi %mul3A_2, %add3A_69 : i32
      %get3A_71 = arith.index_cast %add3A_70 : i32 to index
      %get3A_72 = tpu.vector_load %arg8[%get3A_71] {strides = array<i32>} : memref<512xf32, #tpu.memory_space<vmem>>, vector<16xf32>,
      tpu.vector_store_idx %arg6[%get3A_68], %get3A_72 {add = true} : memref<106496xf32, #tpu.memory_space<vmem>>[vector<16xi32>], vector<16xf32>,
      %add3A_73 = arith.constant 144 : i32
      %add3A_74 = arith.addi %mul3A_2, %add3A_73 : i32
      %get3A_75 = arith.index_cast %add3A_74 : i32 to index
      %get3A_76 = tpu.vector_load %arg7[%get3A_75] {strides = array<i32>} : memref<512xi32, #tpu.memory_space<vmem>>, vector<16xi32>,
      %add3A_77 = arith.constant 144 : i32
      %add3A_78 = arith.addi %mul3A_2, %add3A_77 : i32
      %get3A_79 = arith.index_cast %add3A_78 : i32 to index
      %get3A_80 = tpu.vector_load %arg8[%get3A_79] {strides = array<i32>} : memref<512xf32, #tpu.memory_space<vmem>>, vector<16xf32>,
      tpu.vector_store_idx %arg6[%get3A_76], %get3A_80 {add = true} : memref<106496xf32, #tpu.memory_space<vmem>>[vector<16xi32>], vector<16xf32>,
      %add3A_81 = arith.constant 160 : i32
      %add3A_82 = arith.addi %mul3A_2, %add3A_81 : i32
      %get3A_83 = arith.index_cast %add3A_82 : i32 to index
      %get3A_84 = tpu.vector_load %arg7[%get3A_83] {strides = array<i32>} : memref<512xi32, #tpu.memory_space<vmem>>, vector<16xi32>,
      %add3A_85 = arith.constant 160 : i32
      %add3A_86 = arith.addi %mul3A_2, %add3A_85 : i32
      %get3A_87 = arith.index_cast %add3A_86 : i32 to index
      %get3A_88 = tpu.vector_load %arg8[%get3A_87] {strides = array<i32>} : memref<512xf32, #tpu.memory_space<vmem>>, vector<16xf32>,
      tpu.vector_store_idx %arg6[%get3A_84], %get3A_88 {add = true} : memref<106496xf32, #tpu.memory_space<vmem>>[vector<16xi32>], vector<16xf32>,
      %add3A_89 = arith.constant 176 : i32
      %add3A_90 = arith.addi %mul3A_2, %add3A_89 : i32
      %get3A_91 = arith.index_cast %add3A_90 : i32 to index
      %get3A_92 = tpu.vector_load %arg7[%get3A_91] {strides = array<i32>} : memref<512xi32, #tpu.memory_space<vmem>>, vector<16xi32>,
      %add3A_93 = arith.constant 176 : i32
      %add3A_94 = arith.addi %mul3A_2, %add3A_93 : i32
      %get3A_95 = arith.index_cast %add3A_94 : i32 to index
      %get3A_96 = tpu.vector_load %arg8[%get3A_95] {strides = array<i32>} : memref<512xf32, #tpu.memory_space<vmem>>, vector<16xf32>,
      tpu.vector_store_idx %arg6[%get3A_92], %get3A_96 {add = true} : memref<106496xf32, #tpu.memory_space<vmem>>[vector<16xi32>], vector<16xf32>,
      %add3A_97 = arith.constant 192 : i32
      %add3A_98 = arith.addi %mul3A_2, %add3A_97 : i32
      %get3A_99 = arith.index_cast %add3A_98 : i32 to index
      %get3A_100 = tpu.vector_load %arg7[%get3A_99] {strides = array<i32>} : memref<512xi32, #tpu.memory_space<vmem>>, vector<16xi32>,
      %add3A_101 = arith.constant 192 : i32
      %add3A_102 = arith.addi %mul3A_2, %add3A_101 : i32
      %get3A_103 = arith.index_cast %add3A_102 : i32 to index
      %get3A_104 = tpu.vector_load %arg8[%get3A_103] {strides = array<i32>} : memref<512xf32, #tpu.memory_space<vmem>>, vector<16xf32>,
      tpu.vector_store_idx %arg6[%get3A_100], %get3A_104 {add = true} : memref<106496xf32, #tpu.memory_space<vmem>>[vector<16xi32>], vector<16xf32>,
      %add3A_105 = arith.constant 208 : i32
      %add3A_106 = arith.addi %mul3A_2, %add3A_105 : i32
      %get3A_107 = arith.index_cast %add3A_106 : i32 to index
      %get3A_108 = tpu.vector_load %arg7[%get3A_107] {strides = array<i32>} : memref<512xi32, #tpu.memory_space<vmem>>, vector<16xi32>,
      %add3A_109 = arith.constant 208 : i32
      %add3A_110 = arith.addi %mul3A_2, %add3A_109 : i32
      %get3A_111 = arith.index_cast %add3A_110 : i32 to index
      %get3A_112 = tpu.vector_load %arg8[%get3A_111] {strides = array<i32>} : memref<512xf32, #tpu.memory_space<vmem>>, vector<16xf32>,
      tpu.vector_store_idx %arg6[%get3A_108], %get3A_112 {add = true} : memref<106496xf32, #tpu.memory_space<vmem>>[vector<16xi32>], vector<16xf32>,
      %add3A_113 = arith.constant 224 : i32
      %add3A_114 = arith.addi %mul3A_2, %add3A_113 : i32
      %get3A_115 = arith.index_cast %add3A_114 : i32 to index
      %get3A_116 = tpu.vector_load %arg7[%get3A_115] {strides = array<i32>} : memref<512xi32, #tpu.memory_space<vmem>>, vector<16xi32>,
      %add3A_117 = arith.constant 224 : i32
      %add3A_118 = arith.addi %mul3A_2, %add3A_117 : i32
      %get3A_119 = arith.index_cast %add3A_118 : i32 to index
      %get3A_120 = tpu.vector_load %arg8[%get3A_119] {strides = array<i32>} : memref<512xf32, #tpu.memory_space<vmem>>, vector<16xf32>,
      tpu.vector_store_idx %arg6[%get3A_116], %get3A_120 {add = true} : memref<106496xf32, #tpu.memory_space<vmem>>[vector<16xi32>], vector<16xf32>,
      %add3A_121 = arith.constant 240 : i32
      %add3A_122 = arith.addi %mul3A_2, %add3A_121 : i32
      %get3A_123 = arith.index_cast %add3A_122 : i32 to index
      %get3A_124 = tpu.vector_load %arg7[%get3A_123] {strides = array<i32>} : memref<512xi32, #tpu.memory_space<vmem>>, vector<16xi32>,
      %add3A_125 = arith.constant 240 : i32
      %add3A_126 = arith.addi %mul3A_2, %add3A_125 : i32
      %get3A_127 = arith.index_cast %add3A_126 : i32 to index
      %get3A_128 = tpu.vector_load %arg8[%get3A_127] {strides = array<i32>} : memref<512xf32, #tpu.memory_space<vmem>>, vector<16xf32>,
      tpu.vector_store_idx %arg6[%get3A_124], %get3A_128 {add = true} : memref<106496xf32, #tpu.memory_space<vmem>>[vector<16xi32>], vector<16xf32>,
      "tpu.region"() ({
        %run_scoped3A = tpu.sem_alloc : memref<!tpu.dma_semaphore, #tpu.memory_space<semaphore_mem>>
        %dma_start3A = arith.constant 0 : i32
        %dma_start3A_129 = tpu.memref_slice %arg5[%arg0, %dma_start3A] : memref<2x106496xf32, #tpu.memory_space<hbm>> -> memref<1x106496xf32, #tpu.memory_space<hbm>>
        %dma_start3A_130 = tpu.memref_squeeze %dma_start3A_129 : memref<1x106496xf32, #tpu.memory_space<hbm>> -> memref<106496xf32, #tpu.memory_space<hbm>>
        %dma_start3A_131 = arith.constant 0 : i32
        %dma_start3A_132 = tpu.memref_slice %arg5[%arg0, %dma_start3A_131] : memref<2x106496xf32, #tpu.memory_space<hbm>> -> memref<1x106496xf32, #tpu.memory_space<hbm>>
        %dma_start3A_133 = tpu.memref_squeeze %dma_start3A_132 : memref<1x106496xf32, #tpu.memory_space<hbm>> -> memref<106496xf32, #tpu.memory_space<hbm>>
        tpu.enqueue_dma source(%arg6 : memref<106496xf32, #tpu.memory_space<vmem>>) target(%dma_start3A_133 : memref<106496xf32, #tpu.memory_space<hbm>>) target_semaphore(%run_scoped3A : memref<!tpu.dma_semaphore, #tpu.memory_space<semaphore_mem>>)
        %dma_wait3A = arith.constant 0 : i32
        %dma_wait3A_134 = tpu.memref_slice %arg5[%arg0, %dma_wait3A] : memref<2x106496xf32, #tpu.memory_space<hbm>> -> memref<1x106496xf32, #tpu.memory_space<hbm>>
        %dma_wait3A_135 = tpu.memref_squeeze %dma_wait3A_134 : memref<1x106496xf32, #tpu.memory_space<hbm>> -> memref<106496xf32, #tpu.memory_space<hbm>>
        %dma_wait3A_136 = arith.constant 0 : i32
        %dma_wait3A_137 = tpu.memref_slice %arg5[%arg0, %dma_wait3A_136] : memref<2x106496xf32, #tpu.memory_space<hbm>> -> memref<1x106496xf32, #tpu.memory_space<hbm>>
        %dma_wait3A_138 = tpu.memref_squeeze %dma_wait3A_137 : memref<1x106496xf32, #tpu.memory_space<hbm>> -> memref<106496xf32, #tpu.memory_space<hbm>>
        tpu.wait_dma2 semaphore(%run_scoped3A : memref<!tpu.dma_semaphore, #tpu.memory_space<semaphore_mem>>) src(%arg6 : memref<106496xf32, #tpu.memory_space<vmem>>) dst(%dma_wait3A_138 : memref<106496xf32, #tpu.memory_space<hbm>>)
        tpu.yield
      }) : () -> ()
    } else {
    }
    return
  }
}

module attributes {stable_mosaic.version = 14 : i64} {
  func.func @_wsum_body(%arg0: i32, %arg1: memref<64x8192xf32, #tpu.memory_space<vmem>>, %arg2: memref<2x8192xf32, #tpu.memory_space<vmem>>, %arg3: memref<1x128xf32, #tpu.memory_space<vmem>>, %arg4: memref<2x64xf32, #tpu.memory_space<vmem>>) attributes {dimension_semantics = [#tpu.dimension_semantics<arbitrary>], iteration_bounds = array<i64: 13>, scalar_prefetch = 0 : i64, scratch_operands = 1 : i64, tpu.core_type = #tpu.core_type<tc>, window_params = [{transform_indices = @transform_0, window_bounds = array<i64: 64, 8192>}, {transform_indices = @transform_1, window_bounds = array<i64: 2, 8192>}, {pipeline_mode = #tpu.pipeline_mode<synchronous>, transform_indices = @transform_2, window_bounds = array<i64: 1, 128>}]} {
    %eq3A = arith.constant 0 : i32
    %eq3A_0 = arith.cmpi eq, %arg0, %eq3A : i32
    %convert_element_type3A = arith.extui %eq3A_0 : i1 to i32
    %cond3A = arith.constant 0 : i32
    %cond3A_1 = arith.cmpi ne, %convert_element_type3A, %cond3A : i32
    scf.if %cond3A_1 {
      %broadcast_in_dim3A = arith.constant 0.000000e+00 : f32
      %broadcast_in_dim3A_23 = vector.broadcast %broadcast_in_dim3A : f32 to vector<2x64xf32>
      %swap3A_24 = arith.constant 0 : index
      %swap3A_25 = arith.constant 0 : index
      %swap3A_26 = vector.load %arg4[%swap3A_24, %swap3A_25] : memref<2x64xf32, #tpu.memory_space<vmem>>, vector<2x64xf32>
      tpu.vector_store %arg4[%swap3A_24, %swap3A_25], %broadcast_in_dim3A_23 {strides = array<i32>} : memref<2x64xf32, #tpu.memory_space<vmem>>, vector<2x64xf32>,
    } else {
    }
    %eq3A_2 = arith.constant 12 : i32
    %eq3A_3 = arith.cmpi eq, %arg0, %eq3A_2 : i32
    %convert_element_type3A_4 = arith.extui %eq3A_3 : i1 to i32
    %cond3A_5 = arith.constant 0 : i32
    %cond3A_6 = arith.cmpi ne, %convert_element_type3A_4, %cond3A_5 : i32
    scf.if %cond3A_6 {
      %broadcast_in_dim3A = arith.constant 0.000000e+00 : f32
      %broadcast_in_dim3A_23 = vector.broadcast %broadcast_in_dim3A : f32 to vector<64x6496xf32>
      %swap3A_24 = arith.constant 0 : index
      %swap3A_25 = arith.constant 1696 : index
      %swap3A_26 = vector.load %arg1[%swap3A_24, %swap3A_25] : memref<64x8192xf32, #tpu.memory_space<vmem>>, vector<64x6496xf32>
      tpu.vector_store %arg1[%swap3A_24, %swap3A_25], %broadcast_in_dim3A_23 {strides = array<i32>} : memref<64x8192xf32, #tpu.memory_space<vmem>>, vector<64x6496xf32>,
    } else {
    }
    %get3A = arith.constant 0 : index
    %get3A_7 = arith.constant 0 : index
    %get3A_8 = vector.load %arg4[%get3A, %get3A_7] : memref<2x64xf32, #tpu.memory_space<vmem>>, vector<2x64xf32>
    %get3A_9 = arith.constant 0 : index
    %get3A_10 = arith.constant 0 : index
    %get3A_11 = vector.load %arg2[%get3A_9, %get3A_10] : memref<2x8192xf32, #tpu.memory_space<vmem>>, vector<2x8192xf32>
    %get3A_12 = arith.constant 0 : index
    %get3A_13 = arith.constant 0 : index
    %get3A_14 = vector.load %arg1[%get3A_12, %get3A_13] : memref<64x8192xf32, #tpu.memory_space<vmem>>, vector<64x8192xf32>
    %dot_general3A = arith.constant dense<0.000000e+00> : vector<2x64xf32>
    %dot_general3A_15 = tpu.matmul %get3A_11, %get3A_14, %dot_general3A {dimension_numbers = #tpu.dot_dimension_numbers<[1], [1], [0], [0], [0, 0, 1, 0], [], []>, transpose_lhs_hint = false} : vector<2x8192xf32>, vector<64x8192xf32>, vector<2x64xf32> -> vector<2x64xf32>
    %add3A = arith.addf %get3A_8, %dot_general3A_15 : vector<2x64xf32>
    %swap3A = arith.constant 0 : index
    %swap3A_16 = arith.constant 0 : index
    %swap3A_17 = vector.load %arg4[%swap3A, %swap3A_16] : memref<2x64xf32, #tpu.memory_space<vmem>>, vector<2x64xf32>
    tpu.vector_store %arg4[%swap3A, %swap3A_16], %add3A {strides = array<i32>} : memref<2x64xf32, #tpu.memory_space<vmem>>, vector<2x64xf32>,
    %eq3A_18 = arith.constant 12 : i32
    %eq3A_19 = arith.cmpi eq, %arg0, %eq3A_18 : i32
    %convert_element_type3A_20 = arith.extui %eq3A_19 : i1 to i32
    %cond3A_21 = arith.constant 0 : i32
    %cond3A_22 = arith.cmpi ne, %convert_element_type3A_20, %cond3A_21 : i32
    scf.if %cond3A_22 {
      %get3A_23 = arith.constant 0 : index
      %get3A_24 = arith.constant 0 : index
      %get3A_25 = vector.load %arg4[%get3A_23, %get3A_24] : memref<2x64xf32, #tpu.memory_space<vmem>>, vector<1x64xf32>
      %get3A_26 = vector.shape_cast %get3A_25 : vector<1x64xf32> to vector<64xf32>
      %swap3A_27 = arith.constant 0 : index
      %swap3A_28 = arith.constant 0 : index
      %swap3A_29 = vector.load %arg3[%swap3A_27, %swap3A_28] : memref<1x128xf32, #tpu.memory_space<vmem>>, vector<1x64xf32>
      %swap3A_30 = vector.shape_cast %swap3A_29 : vector<1x64xf32> to vector<64xf32>
      %swap3A_31 = vector.shape_cast %get3A_26 : vector<64xf32> to vector<1x64xf32>
      tpu.vector_store %arg3[%swap3A_27, %swap3A_28], %swap3A_31 {strides = array<i32>} : memref<1x128xf32, #tpu.memory_space<vmem>>, vector<1x64xf32>,
      %get3A_32 = arith.constant 1 : index
      %get3A_33 = arith.constant 0 : index
      %get3A_34 = vector.load %arg4[%get3A_32, %get3A_33] : memref<2x64xf32, #tpu.memory_space<vmem>>, vector<1x64xf32>
      %get3A_35 = vector.shape_cast %get3A_34 : vector<1x64xf32> to vector<64xf32>
      %swap3A_36 = arith.constant 0 : index
      %swap3A_37 = arith.constant 64 : index
      %swap3A_38 = vector.load %arg3[%swap3A_36, %swap3A_37] : memref<1x128xf32, #tpu.memory_space<vmem>>, vector<1x64xf32>
      %swap3A_39 = vector.shape_cast %swap3A_38 : vector<1x64xf32> to vector<64xf32>
      %swap3A_40 = vector.shape_cast %get3A_35 : vector<64xf32> to vector<1x64xf32>
      tpu.vector_store %arg3[%swap3A_36, %swap3A_37], %swap3A_40 {strides = array<i32>} : memref<1x128xf32, #tpu.memory_space<vmem>>, vector<1x64xf32>,
    } else {
    }
    return
  }
  func.func @transform_0(%arg0: i32) -> (i32, i32) {
    %c0_i32 = arith.constant 0 : i32
    %c0_i32_0 = arith.constant 0 : i32
    return %c0_i32, %arg0 : i32, i32
  }
  func.func @transform_1(%arg0: i32) -> (i32, i32) {
    %c0_i32 = arith.constant 0 : i32
    %c0_i32_0 = arith.constant 0 : i32
    return %c0_i32, %arg0 : i32, i32
  }
  func.func @transform_2(%arg0: i32) -> (i32, i32) {
    %c0_i32 = arith.constant 0 : i32
    %c0_i32_0 = arith.constant 0 : i32
    %c0_i32_1 = arith.constant 0 : i32
    return %c0_i32, %c0_i32_0 : i32, i32
  }
}

</mosaic_0001>

<sc_bundles>
// kernel: kernel.4.cloned.1.call-start
scs
__scs_entry_jumppad:
0x0: {  	(pc) =	sbr.rel $0x88, $3  }
0x1: {  	(tag) =	ssettag $0x0;
	lr =	simm.s32 $0x1  }
0x2: {  	[smem:$0x3F9E] =	sst lr;
	_ =	strace $0xD0000000  }
0x3: {  	_ = 	snop  }
0x4: {  	_ = 	snop  }
0x5: {  	_ = 	snop  }
0x6: {  	_ = 	snop  }
0x7: {  	_ = 	snop  }
__scs_overlays_trampoline_lowered:
0x8: {  	[smem:$0x3FAD] =	sst s0  }
0x9: {  	[smem:$0x3FAE] =	sst s1  }
0xa: {  	[smem:$0x3FAF] =	sst s2  }
0xb: {  	[smem:$0x3FB0] =	sst s3  }
0xc: {  	[smem:$0x3FB1] =	sst s4  }
0xd: {  	[smem:$0x3FB2] =	sst s5  }
0xe: {  	[smem:$0x3FB3] =	sst s6  }
0xf: {  	[smem:$0x3FB4] =	sst s7  }
0x10: {  	[smem:$0x3FB5] =	sst s8  }
0x11: {  	[smem:$0x3FB6] =	sst s9;
	s0 =	simm.s32 @!p0 $0x0  }
0x12: {  	s1 =	sld [smem:$0x3F9C];
	s0 =	simm.s32 @p0 $0x1  }
0x13: {  	[smem:$0x3FB7] =	sst s0;
	s0 =	simm.s32 @!p1 $0x0  }
0x14: {  	s2 =	sld [smem:$0x3F9B];
	s0 =	simm.s32 @p1 $0x1  }
0x15: {  	[smem:$0x3FB8] =	sst s0;
	s0 =	simm.s32 @!p2 $0x0  }
0x16: {  	s3 =	sld [smem:$0x3FDB];
	s0 =	simm.s32 @p2 $0x1  }
0x17: {  	s4 =	simm.s32 $0x1BF5;
	[smem:$0x3FBA] =	sst s0  }
0x18: {  	s0 =	sld [smem:$0x3F9D];
	_ =	swait.ge [sflag:s4], $0x0  }
0x19: {  	s7 =	sld [smem:$0x3F9E]  }
0x1a: {  	s8 =	sadd.s32 $0xFFFFE003, lr  }
0x1b: {  	s9 =	sadd.s32 $0xFFFFFEF7, lr;
	s5 =	simm.s32 $0xFFFFFFFF;
	p2 =	slt.u32 s8, $0xFFFFF086  }
0x1c: {  	p1 =	slt.u32 s9, $0xF7A;
	s5 =	simm.s32 @!p2 $0x0  }
0x1d: {  	s5 =	simm.s32 @p1 $0x1;
	p0 =	seq.s32 s7, s2  }
0x1e: {  	s7 =	smul.u32 @!p0 $0xF7A, s2;
	p2 =	seq.s32 @!p0 s5, $0x0  }
0x1f: {  	s9 =	smul.u32 $0xF7A, s1;
	s8 =	simm.s32 @!p0 $0x1BF5;
	p2 =	por !p2, p0  }
0x20: {  	[sflag:s8] =	ssyncset.s32 @!p0 $0xFFFFF086;
	s6 =	sadd.s32 @!p0 s3, s7;
	s7 =	simm.s32 @!p0 $0x108  }
0x21: {  	s3 =	sadd.s32 s3, s9;
	s6 =	sadd.s32 @!p0 $0x88, s6;
	s7 =	simm.s32 @p2 $0x1082  }
0x22: {  	[simem:s7], [sflag:s8] =	dma.local @!p0 [hbm:s6], $0xF7A  }
0x23: {  	s9 =	sor.u32 $0xD0000000, s2;
	s6 =	simm.s32 $0x108;
	_ =	swait.ge @!p0 [sflag:s8], $0x0  }
0x24: {  	s3 =	sadd.s32 $0x88, s3;
	s6 =	simm.s32 @!p1 $0x1082;
	[sflag:s4] =	ssyncset.s32 $0xFFFFF086  }
0x25: {  	[simem:s6], [sflag:s4] =	dma.local [hbm:s3], $0xF7A  }
0x26: {  	[smem:$0x3F9E] =	sst s1;
	(tag) =	ssettag s2;
	_ =	strace s9  }
0x27: {  	s1 =	sld [smem:$0x3FAE]  }
0x28: {  	s2 =	sld [smem:$0x3FAF]  }
0x29: {  	s4 =	sld [smem:$0x3FB1]  }
0x2a: {  	p0 =	seq.s32 s5, $0x0;
	s5 =	sld [smem:$0x3FB2]  }
0x2b: {  	s6 =	sld [smem:$0x3FB3]  }
0x2c: {  	s7 =	sld [smem:$0x3FB4]  }
0x2d: {  	s3 =	simm.s32 $0x108;
	s8 =	sld [smem:$0x3FB5]  }
0x2e: {  	s3 =	simm.s32 @!p0 $0x1082;
	s9 =	sld [smem:$0x3FB6]  }
0x2f: {  	lr =	sadd.s32 s0, s3;
	s0 =	sld [smem:$0x3FAD]  }
0x30: {  	s3 =	sld [smem:$0x3FB0]  }
0x31: {  	[smem:$0x3FB9] =	sst s10  }
0x32: {  	s10 =	sld [smem:$0x3FB7];
	_ =	sdelay $0x3  }
0x33: {  	p0 =	seq.s32 s10, $0x1;
	s10 =	sld [smem:$0x3FB9];
	_ =	sdelay $0x3  }
0x34: {  	[smem:$0x3FB9] =	sst s10  }
0x35: {  	s10 =	sld [smem:$0x3FB8];
	_ =	sdelay $0x3  }
0x36: {  	p1 =	seq.s32 s10, $0x1;
	s10 =	sld [smem:$0x3FB9];
	_ =	sdelay $0x3  }
0x37: {  	[smem:$0x3FB9] =	sst s10  }
0x38: {  	s10 =	sld [smem:$0x3FBA]  }
0x39: {  	_ = 	snop;
	(pc) =	sbr.ind lr, $3  }
0x3a: {  	_ = 	snop  }
0x3b: {  	_ = 	snop  }
0x3c: {  	p2 =	seq.s32 s10, $0x1;
	s10 =	sld [smem:$0x3FB9]  }
0x3d: {  	_ =	shalt  }
0x3e: {  	_ =	shalt  }
0x3f: {  	_ =	shalt  }
0x40: {  	_ =	shalt  }
0x41: {  	_ =	shalt  }
0x42: {  	_ =	shalt  }
0x43: {  	_ =	shalt  }
0x44: {  	_ =	shalt  }
0x45: {  	_ =	shalt  }
0x46: {  	_ =	shalt  }
0x47: {  	_ =	shalt  }
0x48: {  	_ =	shalt  }
0x49: {  	_ =	shalt  }
0x4a: {  	_ =	shalt  }
0x4b: {  	_ =	shalt  }
0x4c: {  	_ =	shalt  }
0x4d: {  	_ =	shalt  }
0x4e: {  	_ =	shalt  }
0x4f: {  	_ =	shalt  }
0x50: {  	_ =	shalt  }
0x51: {  	_ =	shalt  }
0x52: {  	_ =	shalt  }
0x53: {  	_ =	shalt  }
0x54: {  	_ =	shalt  }
0x55: {  	_ =	shalt  }
0x56: {  	_ =	shalt  }
0x57: {  	_ =	shalt  }
0x58: {  	_ =	shalt  }
0x59: {  	_ =	shalt  }
0x5a: {  	_ =	shalt  }
0x5b: {  	_ =	shalt  }
0x5c: {  	_ =	shalt  }
0x5d: {  	_ =	shalt  }
0x5e: {  	_ =	shalt  }
0x5f: {  	_ =	shalt  }
0x60: {  	_ =	shalt  }
0x61: {  	_ =	shalt  }
0x62: {  	_ =	shalt  }
0x63: {  	_ =	shalt  }
0x64: {  	_ =	shalt  }
0x65: {  	_ =	shalt  }
0x66: {  	_ =	shalt  }
0x67: {  	_ =	shalt  }
0x68: {  	_ =	shalt  }
0x69: {  	_ =	shalt  }
0x6a: {  	_ =	shalt  }
0x6b: {  	_ =	shalt  }
0x6c: {  	_ =	shalt  }
0x6d: {  	_ =	shalt  }
0x6e: {  	_ =	shalt  }
0x6f: {  	_ =	shalt  }
0x70: {  	_ =	shalt  }
0x71: {  	_ =	shalt  }
0x72: {  	_ =	shalt  }
0x73: {  	_ =	shalt  }
0x74: {  	_ =	shalt  }
0x75: {  	_ =	shalt  }
0x76: {  	_ =	shalt  }
0x77: {  	_ =	shalt  }
0x78: {  	_ =	shalt  }
0x79: {  	_ =	shalt  }
0x7a: {  	_ =	shalt  }
0x7b: {  	_ =	shalt  }
0x7c: {  	_ =	shalt  }
0x7d: {  	_ =	shalt  }
0x7e: {  	_ =	shalt  }
0x7f: {  	_ =	shalt  }
0x80: {  	_ =	shalt  }
0x81: {  	_ =	shalt  }
0x82: {  	_ =	shalt  }
0x83: {  	_ =	shalt  }
0x84: {  	_ =	shalt  }
0x85: {  	_ =	shalt  }
0x86: {  	_ =	shalt  }
0x87: {  	_ =	shalt  }
.Lfunc_end0:
.L_simem_size_0:
called_computation_lowered:
.L_overlay_start_0:
0x88: {  	s2 =	sld [smem:$0x3FD9]  }
0x89: {  	s3 =	sld [smem:$0x3FFE];
	_ =	sdelay $0x1  }
0x8a: {  	s1 =	srdreg.scid  }
0x8b: {  	s0 =	sand.u32 $0x1, s1  }
0x8c: {  	s16 =	sshll.u32 s0, $0xA;
	s2 =	sadd.s32 s3, s2  }
0x8d: {  	s2 =	sadd.s32 s2, s16  }
0x8e: {  	[smem:$0x3FC5] =	sst s2  }
0x8f: {  	_ = 	snop  }
0x90: {  	(tm) =	ssettm $0x1  }
0x91: {  	s17 =	sld [smem:$0x3FFB];
	_ =	sdelay $0x3  }
0x92: {  	_ =	strace s17  }
0x93: {  	s2 =	sld [smem:$0x3FFC];
	_ =	sdelay $0x3  }
0x94: {  	_ =	strace s2  }
0x95: {  	s2 =	sld [smem:$0x3FFD];
	_ =	sdelay $0x3  }
0x96: {  	_ =	strace s2  }
0x97: {  	_ =	strace $0x8FFFFFFF  }
0x98: {  	s18 =	sld [smem:$0x3FDB];
	_ =	sdelay $0x1  }
0x99: {  	s19 =	simm.s32 $_scs_section_size  }
0x9a: {  	s4 =	simm.s32 $_size__tile_overlayer_lowered;
	s5 =	simm.s32 $_tile_overlayer_lowered  }
0x9b: {  	s22 =	simm.s32 $0x1BFF;
	s21 =	sshll.u32 s5, $0x1;
	s2 =	sadd.s32 s19, s18  }
0x9c: {  	s6 =	simm.s32 $0x0;
	s20 =	sshll.u32 s4, $0x1;
	s4 =	sadd.s32 s21, s2  }
0x9d: {  	[timem:s6], [sflag:s22] =	dma.local [hbm:s4], s20  }
0x9e: {  	_ =	swait.ge [sflag:s22], s20  }
0x9f: {  	s3 =	ssub.s32 $0x0, s20;
	[sflag:s22] =	ssyncset.done $0x0  }
0xa0: {  	[sflag:s22] =	ssyncadd.s32 s3;
	_ =	sdelay $0x1  }
0xa1: {  	s23 =	simm.s32 $0x1B8B  }
0xa2: {  	_ =	swait.ge [sflag:s23], $0x1  }
0xa3: {  	[sflag:s23] =	ssyncset.done $0x0  }
0xa4: {  	s25 =	simm.s32 $0x1B8E;
	s24 =	sld [smem:$0x3FFE];
	[sflag:s23] =	ssyncadd.s32 $0xFFFFFFFF  }
0xa5: {  	s26 =	simm.s32 $execute0_lowered;
	[smem:$0x3FD2] =	sst s25  }
0xa6: {  	s4 =	sshll.u32 s26, $0x1;
	_ =	strace $0x80000046;
	[dreg:$0x1] =	wrdreg $0xFFFFFFFF  }
0xa7: {  	s28 =	simm.s32 $_size_execute0_lowered;
	s2 =	sadd.s32 s2, s4;
	[dreg:$0x0] =	wrdreg $0x0  }
0xa8: {  	s4 =	sshll.u32 s28, $0x1;
	[dreg:$0x2] =	wrdreg s2  }
0xa9: {  	[dreg:$0x3] =	wrdreg s4  }
0xaa: {  	[dreg:$0x4] =	wrdreg $0xC0  }
0xab: {  	_ =	task [dreg:s6], $0x5FFFF  }
0xac: {  	[dreg:$0x1] =	wrdreg $0xFFFFFFFF  }
0xad: {  	[dreg:$0x0] =	wrdreg $0x60  }
0xae: {  	[dreg:$0x2] =	wrdreg s24  }
0xaf: {  	[dreg:$0x3] =	wrdreg $0x9  }
0xb0: {  	_ =	task.clear_ibuf [dreg:s6], $0x4FFFF;
	_ =	strace $0x90000046  }
0xb1: {  	s29 =	simm.s32 $0x9;
	_ =	strace $0x80000048  }
0xb2: {  	_ =	swait.ge [sflag:s29], $0x1  }
0xb3: {  	[sflag:s29] =	ssyncadd.s32 $0xFFFFFFFF  }
0xb4: {  	_ =	strace $0x90000048  }
0xb5: {  	_ =	sfence  }
0xb6: {  	s30 =	sld [smem:$0x0];
	_ =	sdelay $0x2  }
0xb7: {  	s31 =	sshll.u32 s1, $0xD;
	s1 =	sshrl.u32 s1, $0x2  }
0xb8: {  	s3 =	sand.u32 $0x4000, s31;
	s1 =	sadd.s32 s1, s30  }
0xb9: {  	s0 =	sor.u32 s3, s0;
	s1 =	sshll.u32 s1, $0x11  }
0xba: {  	s0 =	sor.u32 s1, s0  }
0xbb: {  	s0 =	sadd.s32 $0x8F2B, s0  }
0xbc: {  	[sflag:s0] =	ssyncadd.remote.s32 $0x1  }
0xbd: {  	_ =	sfence.sel $0xFFFF  }
0xbe: {  	[dreg:$0x0] =	wrdreg $0xFFFFFFFF;
	(pc) =	sbr.abs _section_cstart, $3  }
0xbf: {  	[dreg:$0x1] =	wrdreg $0xFFFFFFFF  }
0xc0: {  	_ =	task.clear_ibuf [dreg:s6], $0x2FFFF;
	_ =	strace $0x9FFFFFFF  }
0xc1: {  	(tm) =	ssettm $0x7FFFFFFF  }
tec
execute0_lowered:
.L_overlay_start_1:
0x0: {  	(tag) =	ssettag $0x1  }
0x1: {  	s2 =	stileid.u32  }
0x2: {  	p0 =	sne.s32 s2, $0x0  }
.Ltmp0:
0x3: {  	_ = 	snop;
	(pc) =	sbr.rel @p0 .LBB2_3-.Ltmp0, $4  }
0x4: {  	_ = 	snop  }
0x5: {  	s6 =	rddreg [dreg:$0x0];
	s1 =	simm.s32 $0x0  }
0x6: {  	[smem:$0x7FF] =	sst s1  }
0x7: {  	s0 =	rddreg [dreg:$0x1];
	_ =	strace $0x80000047  }
0x8: {  	s3 =	srdreg.scid;
	s2 =	sadd.s32 $0x800, s6;
	s5 =	sadd.s32 $0xA00, s6  }
0x9: {  	s24 =	simm.s32 $0x1A000;
	s25 =	simm.s32 $0x1A200;
	s26 =	simm.s32 $0x80  }
0xa: {  	s28 =	simm.s32 $0x100;
	s18 =	sand.u32 $0x1, s3;
	s3 =	sadd.s32 $0x600, s6  }
0xb: {  	s7 =	sshll.u32 s18, $0x4;
	s4 =	sshll.u32 s18, $0x8;
	s22 =	ssub.s32 $0x2, s18  }
0xc: {  	s21 =	sadd.s32 s7, s6;
	s6 =	sor.u32 $0x10, s4;
	s7 =	sor.u32 $0x20, s4  }
0xd: {  	s8 =	sor.u32 $0x30, s4;
	s9 =	sor.u32 $0x40, s4;
	s10 =	sor.u32 $0x50, s4  }
0xe: {  	s11 =	sor.u32 $0x60, s4;
	s12 =	sor.u32 $0x70, s4;
	s13 =	sor.u32 $0x80, s4  }
0xf: {  	s14 =	sor.u32 $0x90, s4;
	s15 =	sor.u32 $0xA0, s4;
	s16 =	sor.u32 $0xB0, s4  }
0x10: {  	s17 =	sor.u32 $0xC0, s4;
	s18 =	sor.u32 $0xD0, s4;
	s23 =	sshrl.u32 s22, $0x1  }
0x11: {  	s19 =	sor.u32 $0xE0, s4;
	s20 =	sor.u32 $0xF0, s4;
	s22 =	ssub.s32 s22, s23  }
0x12: {  	s21 =	sadd.s32 $0x3E00, s21;
	s23 =	simm.s32 $0x1;
	s22 =	smax.u32 s22, $0x1  }
.LBB2_2:
0x13: {  	[tilespmem:s1], [sflag:$0x1] =	stream.linear.gather [hbm4b:s5+s1], $0x1A000, $0x38;
	[tilespmem:$0x1A400] =	vst v63  }
0x14: {  	_ =	swait.ge [sflag:s23], $0x1A000  }
0x15: {  	[sflag:s23] =	ssyncset.done $0x0  }
0x16: {  	[sflag:s23] =	ssyncadd.s32 $0xFFFE6000  }
0x17: {  	[tilespmem:s24], [sflag:$0x1] =	stream.linear.gather [hbm4b:s2+s1], $0x200, $0x38;
	[tilespmem:$0x1A400] =	vst v63  }
0x18: {  	_ =	swait.ge [sflag:s23], $0x200  }
0x19: {  	[sflag:s23] =	ssyncset.done $0x0  }
0x1a: {  	[sflag:s23] =	ssyncadd.s32 $0xFFFFFE00  }
0x1b: {  	[tilespmem:s25], [sflag:$0x1] =	stream.linear.gather [hbm4b:s3+s1], $0x200, $0x38;
	[tilespmem:$0x1A400] =	vst v63  }
0x1c: {  	_ =	swait.ge [sflag:s23], $0x200  }
0x1d: {  	[sflag:s23] =	ssyncset.done $0x0  }
0x1e: {  	[sflag:s23] =	ssyncadd.s32 $0xFFFFFE00  }
0x1f: {  	v0 =	vld [tilespmem:s4+$0x1A000];
	_ =	sdelay $0x2  }
0x20: {  	v1 =	vld [tilespmem:s4+$0x1A200];
	_ =	sdelay $0x4  }
0x21: {  	[tilespmem:v0+s1+$0x0] =	vst.idx.add.f32.msk $0xffff, v1  }
0x22: {  	v0 =	vld [tilespmem:s6+$0x1A000];
	_ =	sdelay $0x2  }
0x23: {  	v1 =	vld [tilespmem:s6+$0x1A200];
	_ =	sdelay $0x4  }
0x24: {  	[tilespmem:v0+s1+$0x0] =	vst.idx.add.f32.msk $0xffff, v1  }
0x25: {  	v0 =	vld [tilespmem:s7+$0x1A000];
	_ =	sdelay $0x2  }
0x26: {  	v1 =	vld [tilespmem:s7+$0x1A200];
	_ =	sdelay $0x4  }
0x27: {  	[tilespmem:v0+s1+$0x0] =	vst.idx.add.f32.msk $0xffff, v1  }
0x28: {  	v0 =	vld [tilespmem:s8+$0x1A000];
	_ =	sdelay $0x2  }
0x29: {  	v1 =	vld [tilespmem:s8+$0x1A200];
	_ =	sdelay $0x4  }
0x2a: {  	[tilespmem:v0+s1+$0x0] =	vst.idx.add.f32.msk $0xffff, v1  }
0x2b: {  	v0 =	vld [tilespmem:s9+$0x1A000];
	_ =	sdelay $0x2  }
0x2c: {  	v1 =	vld [tilespmem:s9+$0x1A200];
	_ =	sdelay $0x4  }
0x2d: {  	[tilespmem:v0+s1+$0x0] =	vst.idx.add.f32.msk $0xffff, v1  }
0x2e: {  	v0 =	vld [tilespmem:s10+$0x1A000];
	_ =	sdelay $0x2  }
0x2f: {  	v1 =	vld [tilespmem:s10+$0x1A200];
	_ =	sdelay $0x4  }
0x30: {  	[tilespmem:v0+s1+$0x0] =	vst.idx.add.f32.msk $0xffff, v1  }
0x31: {  	v0 =	vld [tilespmem:s11+$0x1A000];
	_ =	sdelay $0x2  }
0x32: {  	v1 =	vld [tilespmem:s11+$0x1A200];
	_ =	sdelay $0x4  }
0x33: {  	[tilespmem:v0+s1+$0x0] =	vst.idx.add.f32.msk $0xffff, v1  }
0x34: {  	v0 =	vld [tilespmem:s12+$0x1A000];
	_ =	sdelay $0x2  }
0x35: {  	v1 =	vld [tilespmem:s12+$0x1A200];
	_ =	sdelay $0x4  }
0x36: {  	[tilespmem:v0+s1+$0x0] =	vst.idx.add.f32.msk $0xffff, v1  }
0x37: {  	v0 =	vld [tilespmem:s13+$0x1A000];
	_ =	sdelay $0x2  }
0x38: {  	v1 =	vld [tilespmem:s13+$0x1A200];
	_ =	sdelay $0x4  }
0x39: {  	[tilespmem:v0+s1+$0x0] =	vst.idx.add.f32.msk $0xffff, v1  }
0x3a: {  	v0 =	vld [tilespmem:s14+$0x1A000];
	_ =	sdelay $0x2  }
0x3b: {  	v1 =	vld [tilespmem:s14+$0x1A200];
	_ =	sdelay $0x4  }
0x3c: {  	[tilespmem:v0+s1+$0x0] =	vst.idx.add.f32.msk $0xffff, v1  }
0x3d: {  	v0 =	vld [tilespmem:s15+$0x1A000];
	_ =	sdelay $0x2  }
0x3e: {  	v1 =	vld [tilespmem:s15+$0x1A200];
	_ =	sdelay $0x4  }
0x3f: {  	[tilespmem:v0+s1+$0x0] =	vst.idx.add.f32.msk $0xffff, v1  }
0x40: {  	v0 =	vld [tilespmem:s16+$0x1A000];
	_ =	sdelay $0x2  }
0x41: {  	v1 =	vld [tilespmem:s16+$0x1A200];
	_ =	sdelay $0x4  }
0x42: {  	[tilespmem:v0+s1+$0x0] =	vst.idx.add.f32.msk $0xffff, v1  }
0x43: {  	v0 =	vld [tilespmem:s17+$0x1A000];
	_ =	sdelay $0x2  }
0x44: {  	v1 =	vld [tilespmem:s17+$0x1A200];
	_ =	sdelay $0x4  }
0x45: {  	[tilespmem:v0+s1+$0x0] =	vst.idx.add.f32.msk $0xffff, v1  }
0x46: {  	v0 =	vld [tilespmem:s18+$0x1A000];
	_ =	sdelay $0x2  }
0x47: {  	v1 =	vld [tilespmem:s18+$0x1A200];
	_ =	sdelay $0x4  }
0x48: {  	[tilespmem:v0+s1+$0x0] =	vst.idx.add.f32.msk $0xffff, v1  }
0x49: {  	v0 =	vld [tilespmem:s19+$0x1A000];
	_ =	sdelay $0x2  }
0x4a: {  	v1 =	vld [tilespmem:s19+$0x1A200];
	_ =	sdelay $0x4  }
0x4b: {  	[tilespmem:v0+s1+$0x0] =	vst.idx.add.f32.msk $0xffff, v1  }
0x4c: {  	v0 =	vld [tilespmem:s20+$0x1A000];
	_ =	sdelay $0x2  }
0x4d: {  	v1 =	vld [tilespmem:s20+$0x1A200];
	_ =	sdelay $0x3  }
0x4e: {  	p1 =	sne.s32 s22, $0x1  }
.Ltmp1:
0x4f: {  	[tilespmem:v0+s1+$0x0] =	vst.idx.add.f32.msk $0xffff, v1;
	(pc) =	sbr.rel @p1 .LBB2_2-.Ltmp1, $4  }
0x50: {  	[hbm4b:s21+s26] =	stream.strided.scatter [tilespmem:s1], [sflag:$0x1], $0x1A000, s28, s26, $0x38;
	[tilespmem:$0x1A400] =	vst v63  }
0x51: {  	_ =	swait.ge [sflag:s23], $0x1A000  }
0x52: {  	[sflag:s23] =	ssyncset.done $0x0  }
0x53: {  	s22 =	sadd.s32 $0xFFFFFFFF, s22;
	[sflag:s23] =	ssyncadd.s32 $0xFFFE6000  }
.LBB2_3:
0x54: {  	_ =	sfence.sel $0x180000  }
0x55: {  	[bflag:$0x0] =	sbarrier.arrive $0xFFFF  }
0x56: {  	_ =	strace $0x90000047  }
0x57: {  	s0 =	sadd.s32 @!p0 $0x100000, s0;
	[bflag:$0x2] =	sbarrier.arrive $0xFFFF  }
0x58: {  	[sflag:s0] =	ssyncadd.tile.s32 @!p0 $0x1;
	_ =	shalt  }
.Lfunc_end2:
_tile_overlayer_lowered:
.L_overlay_start_2:
0x59: {  	(tag) =	ssettag $0x2  }
0x5a: {  	s0 =	rddreg [dreg:$0x0];
	s2 =	stileid.u32  }
0x5b: {  	s1 =	rddreg [dreg:$0x1];
	p0 =	sne.s32 s2, $0x0  }
0x5c: {  	s3 =	rddreg [dreg:$0x2];
	[bflag:$0x3] =	sbarrier.arrive $0xFFFF;
	s2 =	simm.s32 @!p0 $0x1C01  }
0x5d: {  	[timem:s3], [sflag:s2] =	dma.local @!p0 [hbm:s0], s1  }
0x5e: {  	s0 =	simm.s32 @!p0 $0x1  }
0x5f: {  	_ =	swait.ge @!p0 [sflag:s0], s1  }
0x60: {  	s1 =	ssub.s32 @!p0 $0x0, s1;
	[sflag:s0] =	ssyncset.done @!p0 $0x0  }
0x61: {  	[sflag:s0] =	ssyncadd.s32 @!p0 s1  }
0x62: {  	[bflag:$0x3] =	sbarrier.arrive $0xFFFF  }
0x63: {  	_ =	shalt  }

</sc_bundles>
